<compile_context>
chip_gen: v7x
topology: tpu7x:2x2x1
jax: 0.10.2.dev20260603
libtpu: 0.0.44.dev20260713+nightly
codegen_flags: <defaults>
</compile_context>

<pallas_src>
import functools

import jax
import jax.numpy as jnp
from jax import lax
from jax.experimental import pallas as pl
from jax.experimental.pallas import tpu as pltpu
from jax.experimental.pallas import tpu_sc as plsc

D = 64
SRC_MAX_LEN = 200
R = 4096 * 200
NW = 32
ROWS_PER_W = R // NW
CHUNK = 512
NCHUNK = ROWS_PER_W // CHUNK
IDXG = 128
NIDXG = CHUNK // IDXG
SCALE = float(D) ** 0.5

_mesh = plsc.VectorSubcoreMesh(core_axis_name="c", subcore_axis_name="s")


@functools.partial(
    pl.kernel,
    mesh=_mesh,
    out_type=jax.ShapeDtypeStruct((R, D), jnp.float32),
    compiler_params=pltpu.CompilerParams(use_tc_tiling_on_sc=False),
    scratch_types=[
        pltpu.VMEM((CHUNK + 8, D), jnp.float32),
        pltpu.VMEM((SRC_MAX_LEN, D), jnp.float32),
        pltpu.VMEM_SHARED((SRC_MAX_LEN, D), jnp.float32),
        pltpu.VMEM((CHUNK,), jnp.int32),
        pltpu.SemaphoreType.DMA,
    ],
)
def _sc_kernel(src_hbm, pos_hbm, emb_hbm, out_hbm, a_v, stage_v, table_s,
               idx_v, sem):
    wid = lax.axis_index("s") * 2 + lax.axis_index("c")
    base = wid * ROWS_PER_W

    pltpu.sync_copy(emb_hbm, stage_v)

    @plsc.parallel_loop(0, SRC_MAX_LEN)
    def _scale(r):
        for j in range(D // 16):
            s = pl.ds(j * 16, 16)
            stage_v[r, s] = stage_v[r, s] * (1.0 / SCALE)

    pltpu.sync_copy(stage_v, table_s)

    def chunk_body(ci, carry):
        row0 = base + ci * CHUNK
        pltpu.sync_copy(src_hbm.at[pl.ds(row0, CHUNK)],
                        a_v.at[pl.ds(0, CHUNK)])
        pltpu.sync_copy(pos_hbm.at[pl.ds(row0, CHUNK)], idx_v)
        cps = [
            pltpu.async_copy(
                table_s.at[idx_v.at[pl.ds(j * IDXG, IDXG)]],
                a_v.at[pl.ds(j * IDXG, IDXG)],
                sem,
                add=True,
            )
            for j in range(NIDXG)
        ]
        for cp in cps:
            cp.wait()

        @plsc.parallel_loop(0, CHUNK, unroll=4)
        def _row(r):
            for j in range(D // 16):
                s = pl.ds(j * 16, 16)
                a_v[r, s] = a_v[r, s] * SCALE

        pltpu.sync_copy(a_v.at[pl.ds(0, CHUNK)],
                        out_hbm.at[pl.ds(row0, CHUNK)])
        return carry

    lax.fori_loop(0, NCHUNK, chunk_body, 0)


def kernel(src_word, src_pos, emb):
    src = src_word.reshape(R, D).astype(jnp.float32)
    pos = src_pos.reshape(R).astype(jnp.int32)
    out = _sc_kernel(src, pos, emb.astype(jnp.float32))
    return out.reshape(src_word.shape)

# --- scband reference (transcript-rebuilt; emitter-appended) ---
"""Pipeline reference for scband-prepare-encoder-27401891348579 (READ-ONLY COPY).

The authoritative reference and input builder live on the scoring server;
editing this copy changes nothing except your own understanding.
"""

import jax, jax.numpy as jnp
import numpy as np

SRC_EMB_DIM = 64
SRC_MAX_LEN = 200
B = 4096
L = 200


def setup_inputs(seed: int = 0) -> dict:
    key = jax.random.key(seed)
    k1, k2, k3 = jax.random.split(key, 3)
    src_word = jax.random.normal(k1, (B, L, SRC_EMB_DIM), dtype=jnp.float32)
    src_pos = jax.random.randint(k2, (B, L, 1), 0, SRC_MAX_LEN, dtype=jnp.int64)
    emb = jax.random.normal(k3, (SRC_MAX_LEN, SRC_EMB_DIM), dtype=jnp.float32) * 0.02
    return {"src_word": src_word, "src_pos": src_pos, "emb": emb}


def reference(src_word, src_pos, emb):
    scale = SRC_EMB_DIM ** 0.5
    src_word_emb = src_word.astype(jnp.float32) * scale
    pos = jnp.squeeze(src_pos, axis=-1)
    src_pos_enc = jnp.take(emb, pos, axis=0)
    src_pos_enc = jax.lax.stop_gradient(src_pos_enc)
    enc_input = src_word_emb + src_pos_enc
    return enc_input

if __name__ == "__main__":
    import jax
    _d = setup_inputs()
    print(jax.jit(kernel)(*tuple(_d.values())))

</pallas_src>

<mosaic_0001>
#map = affine_map<(d0, d1) -> (0, 0)>
#map1 = affine_map<(d0, d1) -> (0)>
module attributes {stable_mosaic.version = 14 : i64} {
  func.func @_sc_kernel(%arg0: i32, %arg1: i32, %arg2: memref<819200x64xf32, #tpu.memory_space<hbm>>, %arg3: memref<819200xi32, #tpu.memory_space<hbm>>, %arg4: memref<200x64xf32, #tpu.memory_space<hbm>>, %arg5: memref<819200x64xf32, #tpu.memory_space<hbm>>, %arg6: memref<520x64xf32, #tpu.memory_space<vmem>>, %arg7: memref<200x64xf32, #tpu.memory_space<vmem>>, %arg8: memref<200x64xf32, #tpu.memory_space<vmem_shared>>, %arg9: memref<512xi32, #tpu.memory_space<vmem>>, %arg10: memref<!tpu.dma_semaphore, #tpu.memory_space<semaphore_mem>>) attributes {dimension_semantics = [#tpu.dimension_semantics<core_parallel>, #tpu.dimension_semantics<subcore_parallel>], iteration_bounds = array<i64: 2, 16>, scalar_prefetch = 0 : i64, scratch_operands = 5 : i64, tpu.core_type = #tpu.core_type<sc_vector_subcore>, window_params = [{transform_indices = #map}, {transform_indices = #map1}, {transform_indices = #map}, {transform_indices = #map}]} {
    %mul3A = arith.constant 2 : i32
    %mul3A_0 = arith.muli %arg1, %mul3A : i32
    %add3A = arith.addi %mul3A_0, %arg0 : i32
    %mul3A_1 = arith.constant 25600 : i32
    %mul3A_2 = arith.muli %add3A, %mul3A_1 : i32
    "tpu.region"() ({
      %run_scoped3A = tpu.sem_alloc : memref<!tpu.dma_semaphore, #tpu.memory_space<semaphore_mem>>
      tpu.enqueue_dma source(%arg4 : memref<200x64xf32, #tpu.memory_space<hbm>>) target(%arg7 : memref<200x64xf32, #tpu.memory_space<vmem>>) target_semaphore(%run_scoped3A : memref<!tpu.dma_semaphore, #tpu.memory_space<semaphore_mem>>)
      tpu.wait_dma2 semaphore(%run_scoped3A : memref<!tpu.dma_semaphore, #tpu.memory_space<semaphore_mem>>) src(%arg4 : memref<200x64xf32, #tpu.memory_space<hbm>>) dst(%arg7 : memref<200x64xf32, #tpu.memory_space<vmem>>)
      tpu.yield
    }) : () -> ()
    %parallel_loop3A = arith.constant 0 : i32
    %parallel_loop3A_3 = arith.constant 200 : i32
    %parallel_loop3A_4 = arith.constant 1 : i32
    scf.for %parallel_loop3A_10 = %parallel_loop3A to %parallel_loop3A_3 step %parallel_loop3A_4  : i32 {
      %parallel_loop3A_11 = arith.index_cast %parallel_loop3A_10 : i32 to index
      %parallel_loop3A_12 = arith.constant 0 : index
      %parallel_loop3A_13 = tpu.vector_load %arg7[%parallel_loop3A_11, %parallel_loop3A_12] {strides = array<i32>} : memref<200x64xf32, #tpu.memory_space<vmem>>, vector<1x16xf32>,
      %parallel_loop3A_14 = vector.shape_cast %parallel_loop3A_13 : vector<1x16xf32> to vector<16xf32>
      %parallel_loop3A_15 = arith.constant 1.250000e-01 : f32
      %parallel_loop3A_16 = vector.broadcast %parallel_loop3A_15 : f32 to vector<16xf32>
      %parallel_loop3A_17 = arith.mulf %parallel_loop3A_14, %parallel_loop3A_16 : vector<16xf32>
      %parallel_loop3A_18 = arith.index_cast %parallel_loop3A_10 : i32 to index
      %parallel_loop3A_19 = arith.constant 0 : index
      %parallel_loop3A_20 = tpu.vector_load %arg7[%parallel_loop3A_18, %parallel_loop3A_19] {strides = array<i32>} : memref<200x64xf32, #tpu.memory_space<vmem>>, vector<1x16xf32>,
      %parallel_loop3A_21 = vector.shape_cast %parallel_loop3A_20 : vector<1x16xf32> to vector<16xf32>
      %parallel_loop3A_22 = vector.shape_cast %parallel_loop3A_17 : vector<16xf32> to vector<1x16xf32>
      tpu.vector_store %arg7[%parallel_loop3A_18, %parallel_loop3A_19], %parallel_loop3A_22 {strides = array<i32>} : memref<200x64xf32, #tpu.memory_space<vmem>>, vector<1x16xf32>,
      %parallel_loop3A_23 = arith.index_cast %parallel_loop3A_10 : i32 to index
      %parallel_loop3A_24 = arith.constant 16 : index
      %parallel_loop3A_25 = tpu.vector_load %arg7[%parallel_loop3A_23, %parallel_loop3A_24] {strides = array<i32>} : memref<200x64xf32, #tpu.memory_space<vmem>>, vector<1x16xf32>,
      %parallel_loop3A_26 = vector.shape_cast %parallel_loop3A_25 : vector<1x16xf32> to vector<16xf32>
      %parallel_loop3A_27 = arith.constant 1.250000e-01 : f32
      %parallel_loop3A_28 = vector.broadcast %parallel_loop3A_27 : f32 to vector<16xf32>
      %parallel_loop3A_29 = arith.mulf %parallel_loop3A_26, %parallel_loop3A_28 : vector<16xf32>
      %parallel_loop3A_30 = arith.index_cast %parallel_loop3A_10 : i32 to index
      %parallel_loop3A_31 = arith.constant 16 : index
      %parallel_loop3A_32 = tpu.vector_load %arg7[%parallel_loop3A_30, %parallel_loop3A_31] {strides = array<i32>} : memref<200x64xf32, #tpu.memory_space<vmem>>, vector<1x16xf32>,
      %parallel_loop3A_33 = vector.shape_cast %parallel_loop3A_32 : vector<1x16xf32> to vector<16xf32>
      %parallel_loop3A_34 = vector.shape_cast %parallel_loop3A_29 : vector<16xf32> to vector<1x16xf32>
      tpu.vector_store %arg7[%parallel_loop3A_30, %parallel_loop3A_31], %parallel_loop3A_34 {strides = array<i32>} : memref<200x64xf32, #tpu.memory_space<vmem>>, vector<1x16xf32>,
      %parallel_loop3A_35 = arith.index_cast %parallel_loop3A_10 : i32 to index
      %parallel_loop3A_36 = arith.constant 32 : index
      %parallel_loop3A_37 = tpu.vector_load %arg7[%parallel_loop3A_35, %parallel_loop3A_36] {strides = array<i32>} : memref<200x64xf32, #tpu.memory_space<vmem>>, vector<1x16xf32>,
      %parallel_loop3A_38 = vector.shape_cast %parallel_loop3A_37 : vector<1x16xf32> to vector<16xf32>
      %parallel_loop3A_39 = arith.constant 1.250000e-01 : f32
      %parallel_loop3A_40 = vector.broadcast %parallel_loop3A_39 : f32 to vector<16xf32>
      %parallel_loop3A_41 = arith.mulf %parallel_loop3A_38, %parallel_loop3A_40 : vector<16xf32>
      %parallel_loop3A_42 = arith.index_cast %parallel_loop3A_10 : i32 to index
      %parallel_loop3A_43 = arith.constant 32 : index
      %parallel_loop3A_44 = tpu.vector_load %arg7[%parallel_loop3A_42, %parallel_loop3A_43] {strides = array<i32>} : memref<200x64xf32, #tpu.memory_space<vmem>>, vector<1x16xf32>,
      %parallel_loop3A_45 = vector.shape_cast %parallel_loop3A_44 : vector<1x16xf32> to vector<16xf32>
      %parallel_loop3A_46 = vector.shape_cast %parallel_loop3A_41 : vector<16xf32> to vector<1x16xf32>
      tpu.vector_store %arg7[%parallel_loop3A_42, %parallel_loop3A_43], %parallel_loop3A_46 {strides = array<i32>} : memref<200x64xf32, #tpu.memory_space<vmem>>, vector<1x16xf32>,
      %parallel_loop3A_47 = arith.index_cast %parallel_loop3A_10 : i32 to index
      %parallel_loop3A_48 = arith.constant 48 : index
      %parallel_loop3A_49 = tpu.vector_load %arg7[%parallel_loop3A_47, %parallel_loop3A_48] {strides = array<i32>} : memref<200x64xf32, #tpu.memory_space<vmem>>, vector<1x16xf32>,
      %parallel_loop3A_50 = vector.shape_cast %parallel_loop3A_49 : vector<1x16xf32> to vector<16xf32>
      %parallel_loop3A_51 = arith.constant 1.250000e-01 : f32
      %parallel_loop3A_52 = vector.broadcast %parallel_loop3A_51 : f32 to vector<16xf32>
      %parallel_loop3A_53 = arith.mulf %parallel_loop3A_50, %parallel_loop3A_52 : vector<16xf32>
      %parallel_loop3A_54 = arith.index_cast %parallel_loop3A_10 : i32 to index
      %parallel_loop3A_55 = arith.constant 48 : index
      %parallel_loop3A_56 = tpu.vector_load %arg7[%parallel_loop3A_54, %parallel_loop3A_55] {strides = array<i32>} : memref<200x64xf32, #tpu.memory_space<vmem>>, vector<1x16xf32>,
      %parallel_loop3A_57 = vector.shape_cast %parallel_loop3A_56 : vector<1x16xf32> to vector<16xf32>
      %parallel_loop3A_58 = vector.shape_cast %parallel_loop3A_53 : vector<16xf32> to vector<1x16xf32>
      tpu.vector_store %arg7[%parallel_loop3A_54, %parallel_loop3A_55], %parallel_loop3A_58 {strides = array<i32>} : memref<200x64xf32, #tpu.memory_space<vmem>>, vector<1x16xf32>,
    } {sc.loop_unroll_factor = 1 : i64, sc.parallel_access}
    "tpu.region"() ({
      %run_scoped3A = tpu.sem_alloc : memref<!tpu.dma_semaphore, #tpu.memory_space<semaphore_mem>>
      tpu.enqueue_dma source(%arg7 : memref<200x64xf32, #tpu.memory_space<vmem>>) target(%arg8 : memref<200x64xf32, #tpu.memory_space<vmem_shared>>) target_semaphore(%run_scoped3A : memref<!tpu.dma_semaphore, #tpu.memory_space<semaphore_mem>>)
      tpu.wait_dma2 semaphore(%run_scoped3A : memref<!tpu.dma_semaphore, #tpu.memory_space<semaphore_mem>>) src(%arg7 : memref<200x64xf32, #tpu.memory_space<vmem>>) dst(%arg8 : memref<200x64xf32, #tpu.memory_space<vmem_shared>>)
      tpu.yield
    }) : () -> ()
    %scan3A = arith.constant 0 : i32
    %scan3A_5 = arith.constant 0 : i32
    %scan3A_6 = arith.constant 50 : i32
    %scan3A_7 = arith.addi %scan3A_5, %scan3A_6 : i32
    %scan3A_8 = arith.constant 1 : i32
    scf.for %scan3A_10 = %scan3A_5 to %scan3A_7 step %scan3A_8  : i32 {
      %mul3A_11 = arith.constant 512 : i32
      %mul3A_12 = arith.muli %scan3A_10, %mul3A_11 : i32
      %add3A_13 = arith.addi %mul3A_2, %mul3A_12 : i32
      "tpu.region"() ({
        %run_scoped3A = tpu.sem_alloc : memref<!tpu.dma_semaphore, #tpu.memory_space<semaphore_mem>>
        %dma_start3A_79 = arith.constant 0 : i32
        %dma_start3A_80 = arith.constant 0 : i32
        %dma_start3A_81 = tpu.memref_slice %arg6[%dma_start3A_79, %dma_start3A_80] : memref<520x64xf32, #tpu.memory_space<vmem>> -> memref<512x64xf32, #tpu.memory_space<vmem>>
        %dma_start3A_82 = arith.constant 0 : i32
        %dma_start3A_83 = tpu.memref_slice %arg2[%add3A_13, %dma_start3A_82] : memref<819200x64xf32, #tpu.memory_space<hbm>> -> memref<512x64xf32, #tpu.memory_space<hbm>>
        %dma_start3A_84 = arith.constant 0 : i32
        %dma_start3A_85 = arith.constant 0 : i32
        %dma_start3A_86 = tpu.memref_slice %arg6[%dma_start3A_84, %dma_start3A_85] : memref<520x64xf32, #tpu.memory_space<vmem>> -> memref<512x64xf32, #tpu.memory_space<vmem>>
        %dma_start3A_87 = arith.constant 0 : i32
        %dma_start3A_88 = tpu.memref_slice %arg2[%add3A_13, %dma_start3A_87] : memref<819200x64xf32, #tpu.memory_space<hbm>> -> memref<512x64xf32, #tpu.memory_space<hbm>>
        tpu.enqueue_dma source(%dma_start3A_88 : memref<512x64xf32, #tpu.memory_space<hbm>>) target(%dma_start3A_86 : memref<512x64xf32, #tpu.memory_space<vmem>>) target_semaphore(%run_scoped3A : memref<!tpu.dma_semaphore, #tpu.memory_space<semaphore_mem>>)
        %dma_wait3A_89 = arith.constant 0 : i32
        %dma_wait3A_90 = arith.constant 0 : i32
        %dma_wait3A_91 = tpu.memref_slice %arg6[%dma_wait3A_89, %dma_wait3A_90] : memref<520x64xf32, #tpu.memory_space<vmem>> -> memref<512x64xf32, #tpu.memory_space<vmem>>
        %dma_wait3A_92 = arith.constant 0 : i32
        %dma_wait3A_93 = tpu.memref_slice %arg2[%add3A_13, %dma_wait3A_92] : memref<819200x64xf32, #tpu.memory_space<hbm>> -> memref<512x64xf32, #tpu.memory_space<hbm>>
        %dma_wait3A_94 = arith.constant 0 : i32
        %dma_wait3A_95 = arith.constant 0 : i32
        %dma_wait3A_96 = tpu.memref_slice %arg6[%dma_wait3A_94, %dma_wait3A_95] : memref<520x64xf32, #tpu.memory_space<vmem>> -> memref<512x64xf32, #tpu.memory_space<vmem>>
        %dma_wait3A_97 = arith.constant 0 : i32
        %dma_wait3A_98 = tpu.memref_slice %arg2[%add3A_13, %dma_wait3A_97] : memref<819200x64xf32, #tpu.memory_space<hbm>> -> memref<512x64xf32, #tpu.memory_space<hbm>>
        tpu.wait_dma2 semaphore(%run_scoped3A : memref<!tpu.dma_semaphore, #tpu.memory_space<semaphore_mem>>) src(%dma_wait3A_98 : memref<512x64xf32, #tpu.memory_space<hbm>>) dst(%dma_wait3A_96 : memref<512x64xf32, #tpu.memory_space<vmem>>)
        tpu.yield
      }) : () -> ()
      "tpu.region"() ({
        %run_scoped3A = tpu.sem_alloc : memref<!tpu.dma_semaphore, #tpu.memory_space<semaphore_mem>>
        %dma_start3A_79 = tpu.memref_slice %arg3[%add3A_13] : memref<819200xi32, #tpu.memory_space<hbm>> -> memref<512xi32, #tpu.memory_space<hbm>>
        %dma_start3A_80 = tpu.memref_slice %arg3[%add3A_13] : memref<819200xi32, #tpu.memory_space<hbm>> -> memref<512xi32, #tpu.memory_space<hbm>>
        tpu.enqueue_dma source(%dma_start3A_80 : memref<512xi32, #tpu.memory_space<hbm>>) target(%arg9 : memref<512xi32, #tpu.memory_space<vmem>>) target_semaphore(%run_scoped3A : memref<!tpu.dma_semaphore, #tpu.memory_space<semaphore_mem>>)
        %dma_wait3A_81 = tpu.memref_slice %arg3[%add3A_13] : memref<819200xi32, #tpu.memory_space<hbm>> -> memref<512xi32, #tpu.memory_space<hbm>>
        %dma_wait3A_82 = tpu.memref_slice %arg3[%add3A_13] : memref<819200xi32, #tpu.memory_space<hbm>> -> memref<512xi32, #tpu.memory_space<hbm>>
        tpu.wait_dma2 semaphore(%run_scoped3A : memref<!tpu.dma_semaphore, #tpu.memory_space<semaphore_mem>>) src(%dma_wait3A_82 : memref<512xi32, #tpu.memory_space<hbm>>) dst(%arg9 : memref<512xi32, #tpu.memory_space<vmem>>)
        tpu.yield
      }) : () -> ()
      %dma_start3A = arith.constant 0 : i32
      %dma_start3A_14 = arith.constant 0 : i32
      %dma_start3A_15 = tpu.memref_slice %arg6[%dma_start3A, %dma_start3A_14] : memref<520x64xf32, #tpu.memory_space<vmem>> -> memref<128x64xf32, #tpu.memory_space<vmem>>
      %dma_start3A_16 = arith.constant 0 : i32
      %dma_start3A_17 = tpu.memref_slice %arg9[%dma_start3A_16] : memref<512xi32, #tpu.memory_space<vmem>> -> memref<128xi32, #tpu.memory_space<vmem>>
      %dma_start3A_18 = arith.constant 0 : i32
      %dma_start3A_19 = arith.constant 0 : i32
      %dma_start3A_20 = tpu.memref_slice %arg8[%dma_start3A_18, %dma_start3A_19] : memref<200x64xf32, #tpu.memory_space<vmem_shared>> -> memref<200x64xf32, #tpu.memory_space<vmem_shared>>
      tpu.enqueue_indirect_dma source(%dma_start3A_20 : memref<200x64xf32, #tpu.memory_space<vmem_shared>>) target(%dma_start3A_15 : memref<128x64xf32, #tpu.memory_space<vmem>>) offsets(%dma_start3A_17 : memref<128xi32, #tpu.memory_space<vmem>>) semaphore(%arg10 : memref<!tpu.dma_semaphore, #tpu.memory_space<semaphore_mem>>) {add = true}
      %dma_start3A_21 = arith.constant 128 : i32
      %dma_start3A_22 = arith.constant 0 : i32
      %dma_start3A_23 = tpu.memref_slice %arg6[%dma_start3A_21, %dma_start3A_22] : memref<520x64xf32, #tpu.memory_space<vmem>> -> memref<128x64xf32, #tpu.memory_space<vmem>>
      %dma_start3A_24 = arith.constant 128 : i32
      %dma_start3A_25 = tpu.memref_slice %arg9[%dma_start3A_24] : memref<512xi32, #tpu.memory_space<vmem>> -> memref<128xi32, #tpu.memory_space<vmem>>
      %dma_start3A_26 = arith.constant 0 : i32
      %dma_start3A_27 = arith.constant 0 : i32
      %dma_start3A_28 = tpu.memref_slice %arg8[%dma_start3A_26, %dma_start3A_27] : memref<200x64xf32, #tpu.memory_space<vmem_shared>> -> memref<200x64xf32, #tpu.memory_space<vmem_shared>>
      tpu.enqueue_indirect_dma source(%dma_start3A_28 : memref<200x64xf32, #tpu.memory_space<vmem_shared>>) target(%dma_start3A_23 : memref<128x64xf32, #tpu.memory_space<vmem>>) offsets(%dma_start3A_25 : memref<128xi32, #tpu.memory_space<vmem>>) semaphore(%arg10 : memref<!tpu.dma_semaphore, #tpu.memory_space<semaphore_mem>>) {add = true}
      %dma_start3A_29 = arith.constant 256 : i32
      %dma_start3A_30 = arith.constant 0 : i32
      %dma_start3A_31 = tpu.memref_slice %arg6[%dma_start3A_29, %dma_start3A_30] : memref<520x64xf32, #tpu.memory_space<vmem>> -> memref<128x64xf32, #tpu.memory_space<vmem>>
      %dma_start3A_32 = arith.constant 256 : i32
      %dma_start3A_33 = tpu.memref_slice %arg9[%dma_start3A_32] : memref<512xi32, #tpu.memory_space<vmem>> -> memref<128xi32, #tpu.memory_space<vmem>>
      %dma_start3A_34 = arith.constant 0 : i32
      %dma_start3A_35 = arith.constant 0 : i32
      %dma_start3A_36 = tpu.memref_slice %arg8[%dma_start3A_34, %dma_start3A_35] : memref<200x64xf32, #tpu.memory_space<vmem_shared>> -> memref<200x64xf32, #tpu.memory_space<vmem_shared>>
      tpu.enqueue_indirect_dma source(%dma_start3A_36 : memref<200x64xf32, #tpu.memory_space<vmem_shared>>) target(%dma_start3A_31 : memref<128x64xf32, #tpu.memory_space<vmem>>) offsets(%dma_start3A_33 : memref<128xi32, #tpu.memory_space<vmem>>) semaphore(%arg10 : memref<!tpu.dma_semaphore, #tpu.memory_space<semaphore_mem>>) {add = true}
      %dma_start3A_37 = arith.constant 384 : i32
      %dma_start3A_38 = arith.constant 0 : i32
      %dma_start3A_39 = tpu.memref_slice %arg6[%dma_start3A_37, %dma_start3A_38] : memref<520x64xf32, #tpu.memory_space<vmem>> -> memref<128x64xf32, #tpu.memory_space<vmem>>
      %dma_start3A_40 = arith.constant 384 : i32
      %dma_start3A_41 = tpu.memref_slice %arg9[%dma_start3A_40] : memref<512xi32, #tpu.memory_space<vmem>> -> memref<128xi32, #tpu.memory_space<vmem>>
      %dma_start3A_42 = arith.constant 0 : i32
      %dma_start3A_43 = arith.constant 0 : i32
      %dma_start3A_44 = tpu.memref_slice %arg8[%dma_start3A_42, %dma_start3A_43] : memref<200x64xf32, #tpu.memory_space<vmem_shared>> -> memref<200x64xf32, #tpu.memory_space<vmem_shared>>
      tpu.enqueue_indirect_dma source(%dma_start3A_44 : memref<200x64xf32, #tpu.memory_space<vmem_shared>>) target(%dma_start3A_39 : memref<128x64xf32, #tpu.memory_space<vmem>>) offsets(%dma_start3A_41 : memref<128xi32, #tpu.memory_space<vmem>>) semaphore(%arg10 : memref<!tpu.dma_semaphore, #tpu.memory_space<semaphore_mem>>) {add = true}
      %dma_wait3A = arith.constant 0 : i32
      %dma_wait3A_45 = arith.constant 0 : i32
      %dma_wait3A_46 = tpu.memref_slice %arg6[%dma_wait3A, %dma_wait3A_45] : memref<520x64xf32, #tpu.memory_space<vmem>> -> memref<128x64xf32, #tpu.memory_space<vmem>>
      %dma_wait3A_47 = arith.constant 0 : i32
      %dma_wait3A_48 = tpu.memref_slice %arg9[%dma_wait3A_47] : memref<512xi32, #tpu.memory_space<vmem>> -> memref<128xi32, #tpu.memory_space<vmem>>
      %dma_wait3A_49 = arith.constant 0 : i32
      %dma_wait3A_50 = arith.constant 0 : i32
      %dma_wait3A_51 = tpu.memref_slice %arg8[%dma_wait3A_49, %dma_wait3A_50] : memref<200x64xf32, #tpu.memory_space<vmem_shared>> -> memref<200x64xf32, #tpu.memory_space<vmem_shared>>
      tpu.wait_indirect_dma semaphore(%arg10 : memref<!tpu.dma_semaphore, #tpu.memory_space<semaphore_mem>>) src(%dma_wait3A_51 : memref<200x64xf32, #tpu.memory_space<vmem_shared>>) dst(%dma_wait3A_46 : memref<128x64xf32, #tpu.memory_space<vmem>>)
      %dma_wait3A_52 = arith.constant 128 : i32
      %dma_wait3A_53 = arith.constant 0 : i32
      %dma_wait3A_54 = tpu.memref_slice %arg6[%dma_wait3A_52, %dma_wait3A_53] : memref<520x64xf32, #tpu.memory_space<vmem>> -> memref<128x64xf32, #tpu.memory_space<vmem>>
      %dma_wait3A_55 = arith.constant 128 : i32
      %dma_wait3A_56 = tpu.memref_slice %arg9[%dma_wait3A_55] : memref<512xi32, #tpu.memory_space<vmem>> -> memref<128xi32, #tpu.memory_space<vmem>>
      %dma_wait3A_57 = arith.constant 0 : i32
      %dma_wait3A_58 = arith.constant 0 : i32
      %dma_wait3A_59 = tpu.memref_slice %arg8[%dma_wait3A_57, %dma_wait3A_58] : memref<200x64xf32, #tpu.memory_space<vmem_shared>> -> memref<200x64xf32, #tpu.memory_space<vmem_shared>>
      tpu.wait_indirect_dma semaphore(%arg10 : memref<!tpu.dma_semaphore, #tpu.memory_space<semaphore_mem>>) src(%dma_wait3A_59 : memref<200x64xf32, #tpu.memory_space<vmem_shared>>) dst(%dma_wait3A_54 : memref<128x64xf32, #tpu.memory_space<vmem>>)
      %dma_wait3A_60 = arith.constant 256 : i32
      %dma_wait3A_61 = arith.constant 0 : i32
      %dma_wait3A_62 = tpu.memref_slice %arg6[%dma_wait3A_60, %dma_wait3A_61] : memref<520x64xf32, #tpu.memory_space<vmem>> -> memref<128x64xf32, #tpu.memory_space<vmem>>
      %dma_wait3A_63 = arith.constant 256 : i32
      %dma_wait3A_64 = tpu.memref_slice %arg9[%dma_wait3A_63] : memref<512xi32, #tpu.memory_space<vmem>> -> memref<128xi32, #tpu.memory_space<vmem>>
      %dma_wait3A_65 = arith.constant 0 : i32
      %dma_wait3A_66 = arith.constant 0 : i32
      %dma_wait3A_67 = tpu.memref_slice %arg8[%dma_wait3A_65, %dma_wait3A_66] : memref<200x64xf32, #tpu.memory_space<vmem_shared>> -> memref<200x64xf32, #tpu.memory_space<vmem_shared>>
      tpu.wait_indirect_dma semaphore(%arg10 : memref<!tpu.dma_semaphore, #tpu.memory_space<semaphore_mem>>) src(%dma_wait3A_67 : memref<200x64xf32, #tpu.memory_space<vmem_shared>>) dst(%dma_wait3A_62 : memref<128x64xf32, #tpu.memory_space<vmem>>)
      %dma_wait3A_68 = arith.constant 384 : i32
      %dma_wait3A_69 = arith.constant 0 : i32
      %dma_wait3A_70 = tpu.memref_slice %arg6[%dma_wait3A_68, %dma_wait3A_69] : memref<520x64xf32, #tpu.memory_space<vmem>> -> memref<128x64xf32, #tpu.memory_space<vmem>>
      %dma_wait3A_71 = arith.constant 384 : i32
      %dma_wait3A_72 = tpu.memref_slice %arg9[%dma_wait3A_71] : memref<512xi32, #tpu.memory_space<vmem>> -> memref<128xi32, #tpu.memory_space<vmem>>
      %dma_wait3A_73 = arith.constant 0 : i32
      %dma_wait3A_74 = arith.constant 0 : i32
      %dma_wait3A_75 = tpu.memref_slice %arg8[%dma_wait3A_73, %dma_wait3A_74] : memref<200x64xf32, #tpu.memory_space<vmem_shared>> -> memref<200x64xf32, #tpu.memory_space<vmem_shared>>
      tpu.wait_indirect_dma semaphore(%arg10 : memref<!tpu.dma_semaphore, #tpu.memory_space<semaphore_mem>>) src(%dma_wait3A_75 : memref<200x64xf32, #tpu.memory_space<vmem_shared>>) dst(%dma_wait3A_70 : memref<128x64xf32, #tpu.memory_space<vmem>>)
      %parallel_loop3A_76 = arith.constant 0 : i32
      %parallel_loop3A_77 = arith.constant 512 : i32
      %parallel_loop3A_78 = arith.constant 1 : i32
      scf.for %parallel_loop3A_79 = %parallel_loop3A_76 to %parallel_loop3A_77 step %parallel_loop3A_78  : i32 {
        %parallel_loop3A_80 = arith.index_cast %parallel_loop3A_79 : i32 to index
        %parallel_loop3A_81 = arith.constant 0 : index
        %parallel_loop3A_82 = tpu.vector_load %arg6[%parallel_loop3A_80, %parallel_loop3A_81] {strides = array<i32>} : memref<520x64xf32, #tpu.memory_space<vmem>>, vector<1x16xf32>,
        %parallel_loop3A_83 = vector.shape_cast %parallel_loop3A_82 : vector<1x16xf32> to vector<16xf32>
        %parallel_loop3A_84 = arith.constant 8.000000e+00 : f32
        %parallel_loop3A_85 = vector.broadcast %parallel_loop3A_84 : f32 to vector<16xf32>
        %parallel_loop3A_86 = arith.mulf %parallel_loop3A_83, %parallel_loop3A_85 : vector<16xf32>
        %parallel_loop3A_87 = arith.index_cast %parallel_loop3A_79 : i32 to index
        %parallel_loop3A_88 = arith.constant 0 : index
        %parallel_loop3A_89 = tpu.vector_load %arg6[%parallel_loop3A_87, %parallel_loop3A_88] {strides = array<i32>} : memref<520x64xf32, #tpu.memory_space<vmem>>, vector<1x16xf32>,
        %parallel_loop3A_90 = vector.shape_cast %parallel_loop3A_89 : vector<1x16xf32> to vector<16xf32>
        %parallel_loop3A_91 = vector.shape_cast %parallel_loop3A_86 : vector<16xf32> to vector<1x16xf32>
        tpu.vector_store %arg6[%parallel_loop3A_87, %parallel_loop3A_88], %parallel_loop3A_91 {strides = array<i32>} : memref<520x64xf32, #tpu.memory_space<vmem>>, vector<1x16xf32>,
        %parallel_loop3A_92 = arith.index_cast %parallel_loop3A_79 : i32 to index
        %parallel_loop3A_93 = arith.constant 16 : index
        %parallel_loop3A_94 = tpu.vector_load %arg6[%parallel_loop3A_92, %parallel_loop3A_93] {strides = array<i32>} : memref<520x64xf32, #tpu.memory_space<vmem>>, vector<1x16xf32>,
        %parallel_loop3A_95 = vector.shape_cast %parallel_loop3A_94 : vector<1x16xf32> to vector<16xf32>
        %parallel_loop3A_96 = arith.constant 8.000000e+00 : f32
        %parallel_loop3A_97 = vector.broadcast %parallel_loop3A_96 : f32 to vector<16xf32>
        %parallel_loop3A_98 = arith.mulf %parallel_loop3A_95, %parallel_loop3A_97 : vector<16xf32>
        %parallel_loop3A_99 = arith.index_cast %parallel_loop3A_79 : i32 to index
        %parallel_loop3A_100 = arith.constant 16 : index
        %parallel_loop3A_101 = tpu.vector_load %arg6[%parallel_loop3A_99, %parallel_loop3A_100] {strides = array<i32>} : memref<520x64xf32, #tpu.memory_space<vmem>>, vector<1x16xf32>,
        %parallel_loop3A_102 = vector.shape_cast %parallel_loop3A_101 : vector<1x16xf32> to vector<16xf32>
        %parallel_loop3A_103 = vector.shape_cast %parallel_loop3A_98 : vector<16xf32> to vector<1x16xf32>
        tpu.vector_store %arg6[%parallel_loop3A_99, %parallel_loop3A_100], %parallel_loop3A_103 {strides = array<i32>} : memref<520x64xf32, #tpu.memory_space<vmem>>, vector<1x16xf32>,
        %parallel_loop3A_104 = arith.index_cast %parallel_loop3A_79 : i32 to index
        %parallel_loop3A_105 = arith.constant 32 : index
        %parallel_loop3A_106 = tpu.vector_load %arg6[%parallel_loop3A_104, %parallel_loop3A_105] {strides = array<i32>} : memref<520x64xf32, #tpu.memory_space<vmem>>, vector<1x16xf32>,
        %parallel_loop3A_107 = vector.shape_cast %parallel_loop3A_106 : vector<1x16xf32> to vector<16xf32>
        %parallel_loop3A_108 = arith.constant 8.000000e+00 : f32
        %parallel_loop3A_109 = vector.broadcast %parallel_loop3A_108 : f32 to vector<16xf32>
        %parallel_loop3A_110 = arith.mulf %parallel_loop3A_107, %parallel_loop3A_109 : vector<16xf32>
        %parallel_loop3A_111 = arith.index_cast %parallel_loop3A_79 : i32 to index
        %parallel_loop3A_112 = arith.constant 32 : index
        %parallel_loop3A_113 = tpu.vector_load %arg6[%parallel_loop3A_111, %parallel_loop3A_112] {strides = array<i32>} : memref<520x64xf32, #tpu.memory_space<vmem>>, vector<1x16xf32>,
        %parallel_loop3A_114 = vector.shape_cast %parallel_loop3A_113 : vector<1x16xf32> to vector<16xf32>
        %parallel_loop3A_115 = vector.shape_cast %parallel_loop3A_110 : vector<16xf32> to vector<1x16xf32>
        tpu.vector_store %arg6[%parallel_loop3A_111, %parallel_loop3A_112], %parallel_loop3A_115 {strides = array<i32>} : memref<520x64xf32, #tpu.memory_space<vmem>>, vector<1x16xf32>,
        %parallel_loop3A_116 = arith.index_cast %parallel_loop3A_79 : i32 to index
        %parallel_loop3A_117 = arith.constant 48 : index
        %parallel_loop3A_118 = tpu.vector_load %arg6[%parallel_loop3A_116, %parallel_loop3A_117] {strides = array<i32>} : memref<520x64xf32, #tpu.memory_space<vmem>>, vector<1x16xf32>,
        %parallel_loop3A_119 = vector.shape_cast %parallel_loop3A_118 : vector<1x16xf32> to vector<16xf32>
        %parallel_loop3A_120 = arith.constant 8.000000e+00 : f32
        %parallel_loop3A_121 = vector.broadcast %parallel_loop3A_120 : f32 to vector<16xf32>
        %parallel_loop3A_122 = arith.mulf %parallel_loop3A_119, %parallel_loop3A_121 : vector<16xf32>
        %parallel_loop3A_123 = arith.index_cast %parallel_loop3A_79 : i32 to index
        %parallel_loop3A_124 = arith.constant 48 : index
        %parallel_loop3A_125 = tpu.vector_load %arg6[%parallel_loop3A_123, %parallel_loop3A_124] {strides = array<i32>} : memref<520x64xf32, #tpu.memory_space<vmem>>, vector<1x16xf32>,
        %parallel_loop3A_126 = vector.shape_cast %parallel_loop3A_125 : vector<1x16xf32> to vector<16xf32>
        %parallel_loop3A_127 = vector.shape_cast %parallel_loop3A_122 : vector<16xf32> to vector<1x16xf32>
        tpu.vector_store %arg6[%parallel_loop3A_123, %parallel_loop3A_124], %parallel_loop3A_127 {strides = array<i32>} : memref<520x64xf32, #tpu.memory_space<vmem>>, vector<1x16xf32>,
      } {sc.loop_unroll_factor = 4 : i64, sc.parallel_access}
      "tpu.region"() ({
        %run_scoped3A = tpu.sem_alloc : memref<!tpu.dma_semaphore, #tpu.memory_space<semaphore_mem>>
        %dma_start3A_79 = arith.constant 0 : i32
        %dma_start3A_80 = arith.constant 0 : i32
        %dma_start3A_81 = tpu.memref_slice %arg6[%dma_start3A_79, %dma_start3A_80] : memref<520x64xf32, #tpu.memory_space<vmem>> -> memref<512x64xf32, #tpu.memory_space<vmem>>
        %dma_start3A_82 = arith.constant 0 : i32
        %dma_start3A_83 = tpu.memref_slice %arg5[%add3A_13, %dma_start3A_82] : memref<819200x64xf32, #tpu.memory_space<hbm>> -> memref<512x64xf32, #tpu.memory_space<hbm>>
        %dma_start3A_84 = arith.constant 0 : i32
        %dma_start3A_85 = tpu.memref_slice %arg5[%add3A_13, %dma_start3A_84] : memref<819200x64xf32, #tpu.memory_space<hbm>> -> memref<512x64xf32, #tpu.memory_space<hbm>>
        %dma_start3A_86 = arith.constant 0 : i32
        %dma_start3A_87 = arith.constant 0 : i32
        %dma_start3A_88 = tpu.memref_slice %arg6[%dma_start3A_86, %dma_start3A_87] : memref<520x64xf32, #tpu.memory_space<vmem>> -> memref<512x64xf32, #tpu.memory_space<vmem>>
        tpu.enqueue_dma source(%dma_start3A_88 : memref<512x64xf32, #tpu.memory_space<vmem>>) target(%dma_start3A_85 : memref<512x64xf32, #tpu.memory_space<hbm>>) target_semaphore(%run_scoped3A : memref<!tpu.dma_semaphore, #tpu.memory_space<semaphore_mem>>)
        %dma_wait3A_89 = arith.constant 0 : i32
        %dma_wait3A_90 = arith.constant 0 : i32
        %dma_wait3A_91 = tpu.memref_slice %arg6[%dma_wait3A_89, %dma_wait3A_90] : memref<520x64xf32, #tpu.memory_space<vmem>> -> memref<512x64xf32, #tpu.memory_space<vmem>>
        %dma_wait3A_92 = arith.constant 0 : i32
        %dma_wait3A_93 = tpu.memref_slice %arg5[%add3A_13, %dma_wait3A_92] : memref<819200x64xf32, #tpu.memory_space<hbm>> -> memref<512x64xf32, #tpu.memory_space<hbm>>
        %dma_wait3A_94 = arith.constant 0 : i32
        %dma_wait3A_95 = tpu.memref_slice %arg5[%add3A_13, %dma_wait3A_94] : memref<819200x64xf32, #tpu.memory_space<hbm>> -> memref<512x64xf32, #tpu.memory_space<hbm>>
        %dma_wait3A_96 = arith.constant 0 : i32
        %dma_wait3A_97 = arith.constant 0 : i32
        %dma_wait3A_98 = tpu.memref_slice %arg6[%dma_wait3A_96, %dma_wait3A_97] : memref<520x64xf32, #tpu.memory_space<vmem>> -> memref<512x64xf32, #tpu.memory_space<vmem>>
        tpu.wait_dma2 semaphore(%run_scoped3A : memref<!tpu.dma_semaphore, #tpu.memory_space<semaphore_mem>>) src(%dma_wait3A_98 : memref<512x64xf32, #tpu.memory_space<vmem>>) dst(%dma_wait3A_95 : memref<512x64xf32, #tpu.memory_space<hbm>>)
        tpu.yield
      }) : () -> ()
    }
    %scan3A_9 = arith.constant 50 : i32
    return
  }
}

</mosaic_0001>

<sc_bundles>
// kernel: kernel.3.cloned.1.call-start
scs
__scs_entry_jumppad:
0x0: {  	(pc) =	sbr.rel $0x88, $3  }
0x1: {  	(tag) =	ssettag $0x0;
	lr =	simm.s32 $0x1  }
0x2: {  	[smem:$0x3F9E] =	sst lr;
	_ =	strace $0xD0000000  }
0x3: {  	_ = 	snop  }
0x4: {  	_ = 	snop  }
0x5: {  	_ = 	snop  }
0x6: {  	_ = 	snop  }
0x7: {  	_ = 	snop  }
__scs_overlays_trampoline_lowered:
0x8: {  	[smem:$0x3FAD] =	sst s0  }
0x9: {  	[smem:$0x3FAE] =	sst s1  }
0xa: {  	[smem:$0x3FAF] =	sst s2  }
0xb: {  	[smem:$0x3FB0] =	sst s3  }
0xc: {  	[smem:$0x3FB1] =	sst s4  }
0xd: {  	[smem:$0x3FB2] =	sst s5  }
0xe: {  	[smem:$0x3FB3] =	sst s6  }
0xf: {  	[smem:$0x3FB4] =	sst s7  }
0x10: {  	[smem:$0x3FB5] =	sst s8  }
0x11: {  	[smem:$0x3FB6] =	sst s9;
	s0 =	simm.s32 @!p0 $0x0  }
0x12: {  	s1 =	sld [smem:$0x3F9C];
	s0 =	simm.s32 @p0 $0x1  }
0x13: {  	[smem:$0x3FB7] =	sst s0;
	s0 =	simm.s32 @!p1 $0x0  }
0x14: {  	s2 =	sld [smem:$0x3F9B];
	s0 =	simm.s32 @p1 $0x1  }
0x15: {  	[smem:$0x3FB8] =	sst s0;
	s0 =	simm.s32 @!p2 $0x0  }
0x16: {  	s3 =	sld [smem:$0x3FDB];
	s0 =	simm.s32 @p2 $0x1  }
0x17: {  	s4 =	simm.s32 $0x1BF5;
	[smem:$0x3FBA] =	sst s0  }
0x18: {  	s0 =	sld [smem:$0x3F9D];
	_ =	swait.ge [sflag:s4], $0x0  }
0x19: {  	s7 =	sld [smem:$0x3F9E]  }
0x1a: {  	s8 =	sadd.s32 $0xFFFFE003, lr  }
0x1b: {  	s9 =	sadd.s32 $0xFFFFFEF7, lr;
	s5 =	simm.s32 $0xFFFFFFFF;
	p2 =	slt.u32 s8, $0xFFFFF086  }
0x1c: {  	p1 =	slt.u32 s9, $0xF7A;
	s5 =	simm.s32 @!p2 $0x0  }
0x1d: {  	s5 =	simm.s32 @p1 $0x1;
	p0 =	seq.s32 s7, s2  }
0x1e: {  	s7 =	smul.u32 @!p0 $0xF7A, s2;
	p2 =	seq.s32 @!p0 s5, $0x0  }
0x1f: {  	s9 =	smul.u32 $0xF7A, s1;
	s8 =	simm.s32 @!p0 $0x1BF5;
	p2 =	por !p2, p0  }
0x20: {  	[sflag:s8] =	ssyncset.s32 @!p0 $0xFFFFF086;
	s6 =	sadd.s32 @!p0 s3, s7;
	s7 =	simm.s32 @!p0 $0x108  }
0x21: {  	s3 =	sadd.s32 s3, s9;
	s6 =	sadd.s32 @!p0 $0x88, s6;
	s7 =	simm.s32 @p2 $0x1082  }
0x22: {  	[simem:s7], [sflag:s8] =	dma.local @!p0 [hbm:s6], $0xF7A  }
0x23: {  	s9 =	sor.u32 $0xD0000000, s2;
	s6 =	simm.s32 $0x108;
	_ =	swait.ge @!p0 [sflag:s8], $0x0  }
0x24: {  	s3 =	sadd.s32 $0x88, s3;
	s6 =	simm.s32 @!p1 $0x1082;
	[sflag:s4] =	ssyncset.s32 $0xFFFFF086  }
0x25: {  	[simem:s6], [sflag:s4] =	dma.local [hbm:s3], $0xF7A  }
0x26: {  	[smem:$0x3F9E] =	sst s1;
	(tag) =	ssettag s2;
	_ =	strace s9  }
0x27: {  	s1 =	sld [smem:$0x3FAE]  }
0x28: {  	s2 =	sld [smem:$0x3FAF]  }
0x29: {  	s4 =	sld [smem:$0x3FB1]  }
0x2a: {  	p0 =	seq.s32 s5, $0x0;
	s5 =	sld [smem:$0x3FB2]  }
0x2b: {  	s6 =	sld [smem:$0x3FB3]  }
0x2c: {  	s7 =	sld [smem:$0x3FB4]  }
0x2d: {  	s3 =	simm.s32 $0x108;
	s8 =	sld [smem:$0x3FB5]  }
0x2e: {  	s3 =	simm.s32 @!p0 $0x1082;
	s9 =	sld [smem:$0x3FB6]  }
0x2f: {  	lr =	sadd.s32 s0, s3;
	s0 =	sld [smem:$0x3FAD]  }
0x30: {  	s3 =	sld [smem:$0x3FB0]  }
0x31: {  	[smem:$0x3FB9] =	sst s10  }
0x32: {  	s10 =	sld [smem:$0x3FB7];
	_ =	sdelay $0x3  }
0x33: {  	p0 =	seq.s32 s10, $0x1;
	s10 =	sld [smem:$0x3FB9];
	_ =	sdelay $0x3  }
0x34: {  	[smem:$0x3FB9] =	sst s10  }
0x35: {  	s10 =	sld [smem:$0x3FB8];
	_ =	sdelay $0x3  }
0x36: {  	p1 =	seq.s32 s10, $0x1;
	s10 =	sld [smem:$0x3FB9];
	_ =	sdelay $0x3  }
0x37: {  	[smem:$0x3FB9] =	sst s10  }
0x38: {  	s10 =	sld [smem:$0x3FBA]  }
0x39: {  	_ = 	snop;
	(pc) =	sbr.ind lr, $3  }
0x3a: {  	_ = 	snop  }
0x3b: {  	_ = 	snop  }
0x3c: {  	p2 =	seq.s32 s10, $0x1;
	s10 =	sld [smem:$0x3FB9]  }
0x3d: {  	_ =	shalt  }
0x3e: {  	_ =	shalt  }
0x3f: {  	_ =	shalt  }
0x40: {  	_ =	shalt  }
0x41: {  	_ =	shalt  }
0x42: {  	_ =	shalt  }
0x43: {  	_ =	shalt  }
0x44: {  	_ =	shalt  }
0x45: {  	_ =	shalt  }
0x46: {  	_ =	shalt  }
0x47: {  	_ =	shalt  }
0x48: {  	_ =	shalt  }
0x49: {  	_ =	shalt  }
0x4a: {  	_ =	shalt  }
0x4b: {  	_ =	shalt  }
0x4c: {  	_ =	shalt  }
0x4d: {  	_ =	shalt  }
0x4e: {  	_ =	shalt  }
0x4f: {  	_ =	shalt  }
0x50: {  	_ =	shalt  }
0x51: {  	_ =	shalt  }
0x52: {  	_ =	shalt  }
0x53: {  	_ =	shalt  }
0x54: {  	_ =	shalt  }
0x55: {  	_ =	shalt  }
0x56: {  	_ =	shalt  }
0x57: {  	_ =	shalt  }
0x58: {  	_ =	shalt  }
0x59: {  	_ =	shalt  }
0x5a: {  	_ =	shalt  }
0x5b: {  	_ =	shalt  }
0x5c: {  	_ =	shalt  }
0x5d: {  	_ =	shalt  }
0x5e: {  	_ =	shalt  }
0x5f: {  	_ =	shalt  }
0x60: {  	_ =	shalt  }
0x61: {  	_ =	shalt  }
0x62: {  	_ =	shalt  }
0x63: {  	_ =	shalt  }
0x64: {  	_ =	shalt  }
0x65: {  	_ =	shalt  }
0x66: {  	_ =	shalt  }
0x67: {  	_ =	shalt  }
0x68: {  	_ =	shalt  }
0x69: {  	_ =	shalt  }
0x6a: {  	_ =	shalt  }
0x6b: {  	_ =	shalt  }
0x6c: {  	_ =	shalt  }
0x6d: {  	_ =	shalt  }
0x6e: {  	_ =	shalt  }
0x6f: {  	_ =	shalt  }
0x70: {  	_ =	shalt  }
0x71: {  	_ =	shalt  }
0x72: {  	_ =	shalt  }
0x73: {  	_ =	shalt  }
0x74: {  	_ =	shalt  }
0x75: {  	_ =	shalt  }
0x76: {  	_ =	shalt  }
0x77: {  	_ =	shalt  }
0x78: {  	_ =	shalt  }
0x79: {  	_ =	shalt  }
0x7a: {  	_ =	shalt  }
0x7b: {  	_ =	shalt  }
0x7c: {  	_ =	shalt  }
0x7d: {  	_ =	shalt  }
0x7e: {  	_ =	shalt  }
0x7f: {  	_ =	shalt  }
0x80: {  	_ =	shalt  }
0x81: {  	_ =	shalt  }
0x82: {  	_ =	shalt  }
0x83: {  	_ =	shalt  }
0x84: {  	_ =	shalt  }
0x85: {  	_ =	shalt  }
0x86: {  	_ =	shalt  }
0x87: {  	_ =	shalt  }
.Lfunc_end0:
.L_simem_size_0:
called_computation.1_lowered:
.L_overlay_start_0:
0x88: {  	s2 =	sld [smem:$0x3FD9]  }
0x89: {  	s3 =	sld [smem:$0x3FFE];
	_ =	sdelay $0x1  }
0x8a: {  	s1 =	srdreg.scid  }
0x8b: {  	s0 =	sand.u32 $0x1, s1  }
0x8c: {  	s17 =	sshll.u32 s0, $0xA;
	s2 =	sadd.s32 s3, s2  }
0x8d: {  	s2 =	sadd.s32 s2, s17  }
0x8e: {  	[smem:$0x3FC5] =	sst s2  }
0x8f: {  	_ = 	snop  }
0x90: {  	s2 =	sld [smem:$0x3FD0];
	(tm) =	ssettm $0x1  }
0x91: {  	s18 =	sld [smem:$0x3FFB];
	_ =	sdelay $0x3  }
0x92: {  	_ =	strace s18  }
0x93: {  	s3 =	sld [smem:$0x3FFC];
	_ =	sdelay $0x3  }
0x94: {  	_ =	strace s3  }
0x95: {  	s3 =	sld [smem:$0x3FFD];
	_ =	sdelay $0x3  }
0x96: {  	_ =	strace s3  }
0x97: {  	_ =	strace $0x8FFFFFFF  }
0x98: {  	s19 =	sld [smem:$0x3FDB];
	_ =	sdelay $0x1  }
0x99: {  	s4 =	simm.s32 $_scs_section_size  }
0x9a: {  	s5 =	simm.s32 $_size__tile_overlayer_lowered;
	s6 =	simm.s32 $_tile_overlayer_lowered  }
0x9b: {  	s22 =	simm.s32 $0x1BFF;
	s21 =	sshll.u32 s6, $0x1;
	s3 =	sadd.s32 s4, s19  }
0x9c: {  	s7 =	simm.s32 $0x0;
	s20 =	sshll.u32 s5, $0x1;
	s5 =	sadd.s32 s21, s3  }
0x9d: {  	[timem:s7], [sflag:s22] =	dma.local [hbm:s5], s20  }
0x9e: {  	_ =	swait.ge [sflag:s22], s20  }
0x9f: {  	s4 =	ssub.s32 $0x0, s20;
	[sflag:s22] =	ssyncset.done $0x0  }
0xa0: {  	[sflag:s22] =	ssyncadd.s32 s4;
	_ =	sdelay $0x1  }
0xa1: {  	s23 =	simm.s32 $0x1B8B  }
0xa2: {  	_ =	swait.ge [sflag:s23], $0x1  }
0xa3: {  	[sflag:s23] =	ssyncset.done $0x0  }
0xa4: {  	s25 =	simm.s32 $0x1B8E;
	s24 =	sld [smem:$0x3FFE];
	[sflag:s23] =	ssyncadd.s32 $0xFFFFFFFF  }
0xa5: {  	s26 =	simm.s32 $execute0_lowered;
	[smem:$0x3FD2] =	sst s25  }
0xa6: {  	s5 =	sshll.u32 s26, $0x1;
	_ =	strace $0x80000046;
	[dreg:$0x1] =	wrdreg $0xFFFFFFFF  }
0xa7: {  	s28 =	simm.s32 $_size_execute0_lowered;
	s3 =	sadd.s32 s3, s5;
	[dreg:$0x0] =	wrdreg $0x0  }
0xa8: {  	s5 =	sshll.u32 s28, $0x1;
	[dreg:$0x2] =	wrdreg s3  }
0xa9: {  	[dreg:$0x3] =	wrdreg s5  }
0xaa: {  	[dreg:$0x4] =	wrdreg $0xC0  }
0xab: {  	_ =	task [dreg:s7], $0x5FFFF  }
0xac: {  	[dreg:$0x1] =	wrdreg $0xFFFFFFFF  }
0xad: {  	[dreg:$0x0] =	wrdreg $0x60  }
0xae: {  	[dreg:$0x2] =	wrdreg s2  }
0xaf: {  	[dreg:$0x3] =	wrdreg s24  }
0xb0: {  	[dreg:$0x4] =	wrdreg $0xB4000  }
0xb1: {  	[dreg:$0x5] =	wrdreg $0x9  }
0xb2: {  	_ =	task.clear_ibuf [dreg:s7], $0x6FFFF;
	_ =	strace $0x90000046  }
0xb3: {  	s29 =	simm.s32 $0x9;
	_ =	strace $0x80000048  }
0xb4: {  	_ =	swait.ge [sflag:s29], $0x1  }
0xb5: {  	[sflag:s29] =	ssyncadd.s32 $0xFFFFFFFF  }
0xb6: {  	_ =	strace $0x90000048  }
0xb7: {  	_ =	sfence  }
0xb8: {  	s30 =	sld [smem:$0x0];
	_ =	sdelay $0x2  }
0xb9: {  	s31 =	sshll.u32 s1, $0xD;
	s1 =	sshrl.u32 s1, $0x2  }
0xba: {  	s3 =	sand.u32 $0x4000, s31;
	s1 =	sadd.s32 s1, s30  }
0xbb: {  	s0 =	sor.u32 s3, s0;
	s1 =	sshll.u32 s1, $0x11  }
0xbc: {  	s0 =	sor.u32 s1, s0  }
0xbd: {  	s0 =	sadd.s32 $0x8F2B, s0  }
0xbe: {  	[sflag:s0] =	ssyncadd.remote.s32 $0x1  }
0xbf: {  	_ =	sfence.sel $0xFFFF  }
0xc0: {  	[dreg:$0x0] =	wrdreg $0xFFFFFFFF;
	(pc) =	sbr.abs _section_cstart, $3  }
0xc1: {  	[dreg:$0x1] =	wrdreg $0xFFFFFFFF  }
0xc2: {  	_ =	task.clear_ibuf [dreg:s7], $0x2FFFF;
	_ =	strace $0x9FFFFFFF  }
0xc3: {  	(tm) =	ssettm $0x7FFFFFFF  }
tec
execute0_lowered:
.L_overlay_start_1:
0x0: {  	(tag) =	ssettag $0x1  }
0x1: {  	s1 =	rddreg [dreg:$0x0]  }
0x2: {  	s7 =	rddreg [dreg:$0x1]  }
0x3: {  	s2 =	rddreg [dreg:$0x2]  }
0x4: {  	s0 =	rddreg [dreg:$0x3]  }
0x5: {  	s4 =	simm.s32 $0x0;
	s5 =	srdreg.scid;
	s3 =	stileid.u32  }
0x6: {  	s12 =	simm.s32 $0xB720;
	s13 =	simm.s32 $0xB7A0;
	s14 =	simm.s32 $0x2000  }
0x7: {  	s15 =	simm.s32 $0xB820;
	s16 =	simm.s32 $0x4000;
	s17 =	simm.s32 $0xB8A0  }
0x8: {  	s18 =	simm.s32 $0x6000;
	s19 =	simm.s32 $0x1;
	s20 =	simm.s32 $0x0  }
0x9: {  	[smem:$0x7FF] =	sst s4;
	s8 =	sand.u32 $0x1, s5;
	s5 =	sadd.s32 $0xC00, s7  }
0xa: {  	s10 =	sshll.u32 s3, $0x1;
	s6 =	sadd.s32 $0x19C00, s7;
	s9 =	ssub.s32 $0x2, s8  }
0xb: {  	s7 =	sadd.s32 $0x1A400, s7;
	_ =	strace $0x80000047;
	s11 =	sshrl.u32 s9, $0x1  }
0xc: {  	s8 =	sor.u32 s8, s10;
	s10 =	simm.s32 $0x8200;
	s9 =	ssub.s32 s9, s11  }
0xd: {  	s8 =	smul.u32 $0x6400, s8;
	s11 =	simm.s32 $0x2;
	s9 =	smax.u32 s9, $0x1  }
.LBB2_1:
0xe: {  	[tilespmem:s10], [sflag:$0x2] =	stream.linear.gather [hbm4b:s6+s4], $0x3200, $0x38;
	[tilespmem:$0xB920] =	vst v63  }
0xf: {  	_ =	swait.ge [sflag:s11], $0x3200  }
0x10: {  	[sflag:s11] =	ssyncset.done $0x0  }
0x11: {  	s21 =	simm.s32 $0x0;
	[sflag:s11] =	ssyncadd.s32 $0xFFFFCE00  }
0x12: {  	v1 =	vld [tilespmem:s21+$0x8230]  }
0x13: {  	v2 =	vld [tilespmem:s21+$0x8200]  }
0x14: {  	v3 =	vld [tilespmem:s21+$0x8210]  }
0x15: {  	v0 =	vld [tilespmem:s21+$0x8220]  }
0x16: {  	s22 =	simm.s32 $0x100  }
.LBB2_2:
0x17: {  	s23 =	sshra.s32 s22, $0x2;
	p0 =	sne.s32 s22, $0xC700;
	s22 =	sadd.s32 $0x100, s22;
	v4 =	vmul.f32 $1.250000000e-01, v1  }
.Ltmp0:
0x18: {  	v1 =	vld [tilespmem:s23+$0x8230];
	v5 =	vmul.f32 $1.250000000e-01, v2;
	(pc) =	sbr.rel @p0 .LBB2_2-.Ltmp0, $4  }
0x19: {  	v2 =	vld [tilespmem:s23+$0x8200];
	v6 =	vmul.f32 $1.250000000e-01, v3;
	[tilespmem:s21+$0x8230] =	vst v4  }
0x1a: {  	v3 =	vld [tilespmem:s23+$0x8210];
	[tilespmem:s21+$0x8200] =	vst v5;
	v4 =	vmul.f32 $1.250000000e-01, v0  }
0x1b: {  	v0 =	vld [tilespmem:s23+$0x8220];
	[tilespmem:s21+$0x8210] =	vst v6  }
0x1c: {  	[tilespmem:s21+$0x8220] =	vst v4;
	s21 =	smov.u32 s23  }
0x1d: {  	v1 =	vmul.f32 $1.250000000e-01, v1  }
0x1e: {  	v2 =	vmul.f32 $1.250000000e-01, v2  }
0x1f: {  	v3 =	vmul.f32 $1.250000000e-01, v3;
	[tilespmem:s21+$0x8230] =	vst v1  }
0x20: {  	[tilespmem:s21+$0x8200] =	vst v2;
	v0 =	vmul.f32 $1.250000000e-01, v0  }
0x21: {  	[tilespmem:s21+$0x8210] =	vst v3  }
0x22: {  	[tilespmem:s21+$0x8220] =	vst v0  }
0x23: {  	[spmem:s2] =	stream.linear.scatter [tilespmem:s10], [sflag:$0x2], $0x3200, $0x38;
	[tilespmem:$0xB920] =	vst v63  }
0x24: {  	_ =	swait.ge [sflag:s11], $0x3200  }
0x25: {  	[sflag:s11] =	ssyncset.done $0x0  }
0x26: {  	s21 =	simm.s32 $0x0;
	[sflag:s11] =	ssyncadd.s32 $0xFFFFCE00  }
.LBB2_4:
0x27: {  	s22 =	sshll.u32 s21, $0x9  }
0x28: {  	s23 =	sadd.s32 s8, s22  }
0x29: {  	s22 =	sshll.u32 s23, $0x3  }
0x2a: {  	s24 =	sadd.s32 s1, s22  }
0x2b: {  	[tilespmem:s4], [sflag:$0x2] =	stream.linear.gather [hbm4b:s24+s4], $0x8000, $0x38;
	[tilespmem:$0xB920] =	vst v63  }
0x2c: {  	_ =	swait.ge [sflag:s11], $0x8000  }
0x2d: {  	s23 =	sshrl.u32 s23, $0x3;
	[sflag:s11] =	ssyncset.done $0x0  }
0x2e: {  	s23 =	sadd.s32 s5, s23;
	[sflag:s11] =	ssyncadd.s32 $0xFFFF8000  }
0x2f: {  	[tilespmem:s12], [sflag:$0x2] =	stream.linear.gather [hbm4b:s23+s4], $0x200, $0x38;
	[tilespmem:$0xB920] =	vst v63  }
0x30: {  	_ =	swait.ge [sflag:s11], $0x200  }
0x31: {  	[sflag:s11] =	ssyncset.done $0x0  }
0x32: {  	s23 =	simm.s32 $0x80;
	[sflag:s11] =	ssyncadd.s32 $0xFFFFFE00  }
0x33: {  	[tilespmem:s4], [sflag:$0x1] =	stream.indirect.gather.add.f32 [spmem:s2], $0x40, s12, s23, $0xb8;
	[tilespmem:$0xB920] =	vst v63  }
0x34: {  	_ = 	snop  }
0x35: {  	[tilespmem:s14], [sflag:$0x1] =	stream.indirect.gather.add.f32 [spmem:s2], $0x40, s13, s23, $0xb8;
	[tilespmem:$0xB920] =	vst v63  }
0x36: {  	_ = 	snop  }
0x37: {  	[tilespmem:s16], [sflag:$0x1] =	stream.indirect.gather.add.f32 [spmem:s2], $0x40, s15, s23, $0xb8;
	[tilespmem:$0xB920] =	vst v63  }
0x38: {  	_ = 	snop  }
0x39: {  	[tilespmem:s18], [sflag:$0x1] =	stream.indirect.gather.add.f32 [spmem:s2], $0x40, s17, s23, $0xb8;
	[tilespmem:$0xB920] =	vst v63  }
0x3a: {  	_ =	swait.ge [sflag:s19], $0x2000  }
0x3b: {  	[sflag:s19] =	ssyncset.done $0x0  }
0x3c: {  	[sflag:s19] =	ssyncadd.s32 $0xFFFFE000  }
0x3d: {  	_ =	swait.ge [sflag:s19], $0x2000  }
0x3e: {  	[sflag:s19] =	ssyncset.done $0x0  }
0x3f: {  	[sflag:s19] =	ssyncadd.s32 $0xFFFFE000  }
0x40: {  	_ =	swait.ge [sflag:s19], $0x2000  }
0x41: {  	[sflag:s19] =	ssyncset.done $0x0  }
0x42: {  	[sflag:s19] =	ssyncadd.s32 $0xFFFFE000  }
0x43: {  	_ =	swait.ge [sflag:s19], $0x2000  }
0x44: {  	[sflag:s19] =	ssyncset.done $0x0  }
0x45: {  	[sflag:s19] =	ssyncadd.s32 $0xFFFFE000  }
0x46: {  	v0 =	vld [tilespmem:s23+$0x70]  }
0x47: {  	v1 =	vld [tilespmem:s23+$0xFFFFFF90]  }
0x48: {  	v2 =	vld [tilespmem:s23+$0xFFFFFFA0]  }
0x49: {  	v3 =	vld [tilespmem:s23+$0xFFFFFFB0]  }
0x4a: {  	v4 =	vld [tilespmem:s23+$0xFFFFFFC0]  }
0x4b: {  	v5 =	vld [tilespmem:s23+$0xFFFFFFD0];
	v0 =	vmul.f32 $8.000000000e+00, v0  }
0x4c: {  	v6 =	vld [tilespmem:s23+$0xFFFFFFE0];
	v1 =	vmul.f32 $8.000000000e+00, v1  }
0x4d: {  	v7 =	vld [tilespmem:s23+$0xFFFFFFF0];
	v2 =	vmul.f32 $8.000000000e+00, v2;
	[tilespmem:s23+$0x70] =	vst v0  }
0x4e: {  	[tilespmem:s23+$0xFFFFFF90] =	vst v1;
	v0 =	vmul.f32 $8.000000000e+00, v3;
	v3 =	vld [tilespmem:s23+$0x0]  }
0x4f: {  	[tilespmem:s23+$0xFFFFFFA0] =	vst v2;
	v1 =	vmul.f32 $8.000000000e+00, v4;
	v4 =	vld [tilespmem:s23+$0x10]  }
0x50: {  	v8 =	vld [tilespmem:s23+$0x20];
	v2 =	vmul.f32 $8.000000000e+00, v5;
	[tilespmem:s23+$0xFFFFFFB0] =	vst v0  }
0x51: {  	v5 =	vmul.f32 $8.000000000e+00, v6;
	[tilespmem:s23+$0xFFFFFFC0] =	vst v1;
	v0 =	vld [tilespmem:s23+$0x30]  }
0x52: {  	v6 =	vmul.f32 $8.000000000e+00, v7;
	[tilespmem:s23+$0xFFFFFFD0] =	vst v2;
	v1 =	vld [tilespmem:s23+$0x40]  }
0x53: {  	[tilespmem:s23+$0xFFFFFFE0] =	vst v5;
	v2 =	vld [tilespmem:s23+$0x50];
	v7 =	vmul.f32 $8.000000000e+00, v3  }
0x54: {  	[tilespmem:s23+$0xFFFFFFF0] =	vst v6;
	v3 =	vld [tilespmem:s23+$0x60];
	v5 =	vmul.f32 $8.000000000e+00, v4  }
0x55: {  	s25 =	simm.s32 $0x180;
	s24 =	simm.s32 $0x0;
	v6 =	vmul.f32 $8.000000000e+00, v8;
	v4 =	vld [tilespmem:s23+$0xFFFFFF80];
	[tilespmem:s23+$0x0] =	vst v7  }
.LBB2_5:
0x56: {  	v7 =	vld [tilespmem:s25+$0x70];
	s24 =	sadd.s32 $0x4, s24;
	[tilespmem:s23+$0x10] =	vst v5;
	v0 =	vmul.f32 $8.000000000e+00, v0  }
0x57: {  	v5 =	vld [tilespmem:s25+$0xFFFFFF90];
	p0 =	slt.u32 s24, $0x1FC;
	[tilespmem:s23+$0x20] =	vst v6;
	v1 =	vmul.f32 $8.000000000e+00, v1  }
0x58: {  	v6 =	vld [tilespmem:s25+$0xFFFFFFA0];
	[tilespmem:s23+$0x30] =	vst v0;
	v0 =	vmul.f32 $8.000000000e+00, v2  }
0x59: {  	v2 =	vld [tilespmem:s25+$0xFFFFFFB0];
	[tilespmem:s23+$0x40] =	vst v1;
	v1 =	vmul.f32 $8.000000000e+00, v3  }
0x5a: {  	v3 =	vld [tilespmem:s25+$0xFFFFFFC0];
	v4 =	vmul.f32 $8.000000000e+00, v4;
	[tilespmem:s23+$0x50] =	vst v0  }
0x5b: {  	v0 =	vld [tilespmem:s25+$0xFFFFFFD0];
	v7 =	vmul.f32 $8.000000000e+00, v7;
	[tilespmem:s23+$0x60] =	vst v1  }
0x5c: {  	v1 =	vmul.f32 $8.000000000e+00, v5;
	v5 =	vld [tilespmem:s25+$0xFFFFFFE0];
	[tilespmem:s23+$0xFFFFFF80] =	vst v4;
	s23 =	smov.u32 s25  }
0x5d: {  	v4 =	vmul.f32 $8.000000000e+00, v6;
	v6 =	vld [tilespmem:s25+$0xFFFFFFF0];
	[tilespmem:s25+$0x70] =	vst v7  }
0x5e: {  	[tilespmem:s25+$0xFFFFFF90] =	vst v1;
	v1 =	vmul.f32 $8.000000000e+00, v2;
	v2 =	vld [tilespmem:s25+$0x0]  }
0x5f: {  	[tilespmem:s25+$0xFFFFFFA0] =	vst v4;
	v3 =	vmul.f32 $8.000000000e+00, v3;
	v4 =	vld [tilespmem:s25+$0x10]  }
0x60: {  	[tilespmem:s25+$0xFFFFFFB0] =	vst v1;
	v1 =	vmul.f32 $8.000000000e+00, v0;
	v7 =	vld [tilespmem:s25+$0x20]  }
.Ltmp1:
0x61: {  	[tilespmem:s25+$0xFFFFFFC0] =	vst v3;
	v3 =	vmul.f32 $8.000000000e+00, v5;
	v0 =	vld [tilespmem:s25+$0x30];
	(pc) =	sbr.rel @p0 .LBB2_5-.Ltmp1, $4  }
0x62: {  	[tilespmem:s25+$0xFFFFFFD0] =	vst v1;
	v5 =	vmul.f32 $8.000000000e+00, v6;
	v1 =	vld [tilespmem:s25+$0x40]  }
0x63: {  	[tilespmem:s25+$0xFFFFFFE0] =	vst v3;
	v6 =	vmul.f32 $8.000000000e+00, v2;
	v2 =	vld [tilespmem:s25+$0x50]  }
0x64: {  	[tilespmem:s25+$0xFFFFFFF0] =	vst v5;
	v5 =	vmul.f32 $8.000000000e+00, v4;
	v3 =	vld [tilespmem:s25+$0x60]  }
0x65: {  	s25 =	sadd.s32 $0x100, s25;
	v4 =	vld [tilespmem:s23+$0xFFFFFF80];
	[tilespmem:s23+$0x0] =	vst v6;
	v6 =	vmul.f32 $8.000000000e+00, v7  }
0x66: {  	[tilespmem:s23+$0x10] =	vst v5;
	v0 =	vmul.f32 $8.000000000e+00, v0  }
0x67: {  	[tilespmem:s23+$0x20] =	vst v6;
	v1 =	vmul.f32 $8.000000000e+00, v1  }
0x68: {  	[tilespmem:s23+$0x30] =	vst v0;
	v61 =	vmul.f32 $8.000000000e+00, v2  }
0x69: {  	[tilespmem:s23+$0x40] =	vst v1;
	v62 =	vmul.f32 $8.000000000e+00, v3  }
0x6a: {  	s21 =	sadd.s32 $0x1, s21;
	v63 =	vmul.f32 $8.000000000e+00, v4;
	[tilespmem:s23+$0x50] =	vst v61  }
0x6b: {  	p0 =	sne.s32 s21, $0x32;
	[tilespmem:s23+$0x60] =	vst v62  }
.Ltmp2:
0x6c: {  	s22 =	sadd.s32 s7, s22;
	[tilespmem:s23+$0xFFFFFF80] =	vst v63;
	(pc) =	sbr.rel @p0 .LBB2_4-.Ltmp2, $4  }
0x6d: {  	[hbm4b:s22+s4] =	stream.linear.scatter [tilespmem:s4], [sflag:$0x2], $0x8000, $0x38;
	[tilespmem:$0xB920] =	vst v63  }
0x6e: {  	_ =	swait.ge [sflag:s11], $0x8000  }
0x6f: {  	[sflag:s11] =	ssyncset.done $0x0  }
0x70: {  	[sflag:s11] =	ssyncadd.s32 $0xFFFF8000  }
0x71: {  	s20 =	sadd.s32 $0x1, s20  }
0x72: {  	p0 =	sne.s32 s20, s9  }
.Ltmp3:
0x73: {  	_ = 	snop;
	(pc) =	sbr.rel @p0 .LBB2_1-.Ltmp3, $1  }
0x74: {  	_ =	sdelay $0x3  }
0x75: {  	_ =	sfence.sel $0x180000  }
0x76: {  	[bflag:$0x0] =	sbarrier.arrive $0xFFFF  }
0x77: {  	p0 =	sne.s32 s3, $0x0;
	_ =	strace $0x90000047  }
0x78: {  	s0 =	sadd.s32 @!p0 $0x100000, s0;
	[bflag:$0x2] =	sbarrier.arrive $0xFFFF  }
0x79: {  	[sflag:s0] =	ssyncadd.tile.s32 @!p0 $0x1;
	_ =	shalt  }
.Lfunc_end2:
_tile_overlayer_lowered:
.L_overlay_start_2:
0x7a: {  	(tag) =	ssettag $0x2  }
0x7b: {  	s0 =	rddreg [dreg:$0x0];
	s2 =	stileid.u32  }
0x7c: {  	s1 =	rddreg [dreg:$0x1];
	p0 =	sne.s32 s2, $0x0  }
0x7d: {  	s3 =	rddreg [dreg:$0x2];
	[bflag:$0x3] =	sbarrier.arrive $0xFFFF;
	s2 =	simm.s32 @!p0 $0x1C02  }
0x7e: {  	[timem:s3], [sflag:s2] =	dma.local @!p0 [hbm:s0], s1  }
0x7f: {  	s0 =	simm.s32 @!p0 $0x2  }
0x80: {  	_ =	swait.ge @!p0 [sflag:s0], s1  }
0x81: {  	s1 =	ssub.s32 @!p0 $0x0, s1;
	[sflag:s0] =	ssyncset.done @!p0 $0x0  }
0x82: {  	[sflag:s0] =	ssyncadd.s32 @!p0 s1  }
0x83: {  	[bflag:$0x3] =	sbarrier.arrive $0xFFFF  }
0x84: {  	_ =	shalt  }

// kernel: sparse-core-data-format-call.cloned.1.call-start
scs
called_computation_lowered:
.L_overlay_start_0:
0x0: {  	s2 =	sld [smem:$0x3FD9]  }
0x1: {  	s3 =	sld [smem:$0x3FFE];
	_ =	sdelay $0x1  }
0x2: {  	s1 =	srdreg.scid  }
0x3: {  	s0 =	sand.u32 $0x1, s1  }
0x4: {  	s18 =	sshll.u32 s0, $0xA;
	s2 =	sadd.s32 s3, s2  }
0x5: {  	s2 =	sadd.s32 s2, s18  }
0x6: {  	[smem:$0x3FC5] =	sst s2  }
0x7: {  	_ = 	snop  }
0x8: {  	s2 =	sld [smem:$0x3FD0];
	(tm) =	ssettm $0x1  }
0x9: {  	s19 =	sld [smem:$0x3FFB];
	_ =	sdelay $0x3  }
0xa: {  	_ =	strace s19  }
0xb: {  	s3 =	sld [smem:$0x3FFC];
	_ =	sdelay $0x3  }
0xc: {  	_ =	strace s3  }
0xd: {  	s3 =	sld [smem:$0x3FFD];
	_ =	sdelay $0x3  }
0xe: {  	_ =	strace s3  }
0xf: {  	_ =	strace $0x8FFFFFFF  }
0x10: {  	s20 =	sld [smem:$0x3FDB];
	_ =	sdelay $0x1  }
0x11: {  	s4 =	simm.s32 $_scs_section_size  }
0x12: {  	s5 =	simm.s32 $_size__tile_overlayer_lowered;
	s6 =	simm.s32 $_tile_overlayer_lowered  }
0x13: {  	s23 =	simm.s32 $0x1BFF;
	s22 =	sshll.u32 s6, $0x1;
	s3 =	sadd.s32 s4, s20  }
0x14: {  	s7 =	simm.s32 $0x0;
	s21 =	sshll.u32 s5, $0x1;
	s5 =	sadd.s32 s22, s3  }
0x15: {  	[timem:s7], [sflag:s23] =	dma.local [hbm:s5], s21  }
0x16: {  	_ =	swait.ge [sflag:s23], s21  }
0x17: {  	s4 =	ssub.s32 $0x0, s21;
	[sflag:s23] =	ssyncset.done $0x0  }
0x18: {  	[sflag:s23] =	ssyncadd.s32 s4;
	_ =	sdelay $0x1  }
0x19: {  	s24 =	simm.s32 $0x1B8B  }
0x1a: {  	_ =	swait.ge [sflag:s24], $0x1  }
0x1b: {  	[sflag:s24] =	ssyncset.done $0x0  }
0x1c: {  	s26 =	simm.s32 $0x1B8E;
	s25 =	sld [smem:$0x3FFE];
	[sflag:s24] =	ssyncadd.s32 $0xFFFFFFFF  }
0x1d: {  	s27 =	simm.s32 $execute0_lowered;
	[smem:$0x3FD2] =	sst s26  }
0x1e: {  	s5 =	sshll.u32 s27, $0x1;
	_ =	strace $0x80000049;
	[dreg:$0x1] =	wrdreg $0xFFFFFFFF  }
0x1f: {  	s28 =	simm.s32 $_size_execute0_lowered;
	s3 =	sadd.s32 s3, s5;
	[dreg:$0x0] =	wrdreg $0x0  }
0x20: {  	s5 =	sshll.u32 s28, $0x1;
	[dreg:$0x2] =	wrdreg s3  }
0x21: {  	[dreg:$0x3] =	wrdreg s5  }
0x22: {  	[dreg:$0x4] =	wrdreg $0xC0  }
0x23: {  	_ =	task [dreg:s7], $0x5FFFF  }
0x24: {  	[dreg:$0x1] =	wrdreg $0xFFFFFFFF  }
0x25: {  	[dreg:$0x0] =	wrdreg $0x60  }
0x26: {  	[dreg:$0x2] =	wrdreg s25  }
0x27: {  	[dreg:$0x3] =	wrdreg s2  }
0x28: {  	[dreg:$0x4] =	wrdreg $0x9  }
0x29: {  	_ =	task.clear_ibuf [dreg:s7], $0x5FFFF;
	_ =	strace $0x90000049  }
0x2a: {  	s29 =	simm.s32 $0x9;
	_ =	strace $0x8000004B  }
0x2b: {  	_ =	swait.ge [sflag:s29], $0x1  }
0x2c: {  	[sflag:s29] =	ssyncadd.s32 $0xFFFFFFFF  }
0x2d: {  	_ =	strace $0x9000004B  }
0x2e: {  	_ =	sfence  }
0x2f: {  	s30 =	sld [smem:$0x0];
	_ =	sdelay $0x2  }
0x30: {  	s31 =	sshll.u32 s1, $0xD;
	s1 =	sshrl.u32 s1, $0x2  }
0x31: {  	s3 =	sand.u32 $0x4000, s31;
	s1 =	sadd.s32 s1, s30  }
0x32: {  	s0 =	sor.u32 s3, s0;
	s1 =	sshll.u32 s1, $0x11  }
0x33: {  	s0 =	sor.u32 s1, s0  }
0x34: {  	s0 =	sadd.s32 $0x8F2B, s0  }
0x35: {  	[sflag:s0] =	ssyncadd.remote.s32 $0x1  }
0x36: {  	_ =	sfence.sel $0xFFFF  }
0x37: {  	[dreg:$0x0] =	wrdreg $0xFFFFFFFF;
	(pc) =	sbr.abs _section_cstart, $3  }
0x38: {  	[dreg:$0x1] =	wrdreg $0xFFFFFFFF  }
0x39: {  	_ =	task.clear_ibuf [dreg:s7], $0x2FFFF;
	_ =	strace $0x9FFFFFFF  }
0x3a: {  	(tm) =	ssettm $0x7FFFFFFF  }
0x3b: {  	_ =	shalt  }
tec
execute0_lowered:
.L_overlay_start_1:
0x0: {  	(tag) =	ssettag $0x1  }
0x1: {  	s0 =	srdreg.scid  }
0x2: {  	s1 =	sshll.u32 s0, $0x4  }
0x3: {  	s0 =	stileid.u32;
	s1 =	sand.u32 $0x10, s1  }
0x4: {  	s1 =	sor.u32 s0, s1  }
0x5: {  	s6 =	rddreg [dreg:$0x0];
	s4 =	simm.s32 $0x1;
	s2 =	sshll.u32 s1, $0x7  }
0x6: {  	s7 =	simm.s32 $0x2;
	s12 =	simm.s32 $0x0;
	s1 =	ssub.s32 $0x1000, s2  }
0x7: {  	s8 =	simm.s32 $0x8000;
	s13 =	simm.s32 $0x0;
	s3 =	sand.u32 $0xF80, s1  }
0x8: {  	s9 =	simm.s32 $0x0;
	s5 =	sshrl.u32 s1, $0xC;
	p0 =	sne.s32 s3, $0x0  }
.Ltmp0:
0x9: {  	s1 =	rddreg [dreg:$0x2];
	s4 =	simm.s32 @!p0 $0x0;
	(pc) =	sbr.rel .LBB1_1-.Ltmp0, $4  }
0xa: {  	s11 =	simm.s32 $0x0;
	s3 =	rddreg [dreg:$0x1];
	s5 =	sadd.s32 s4, s5  }
0xb: {  	_ =	strace $0x8000004A;
	s4 =	simm.s32 $0x1;
	s5 =	smul.u32 $0xC8, s5  }
0xc: {  	s6 =	sadd.s32 $0x65A400, s6;
	s10 =	smov.u32 s2;
	[sflag:s4] =	ssyncpa.u1 $0x0  }
0xd: {  	p0 =	por $0x0, $0x0;
	[sflag:s7] =	ssyncpa.u1 $0x0;
	s7 =	sor.u32 $0x1, s5  }
.LBB1_4:
0xe: {  	s16 =	sshll.u32 s13, $0x3;
	s17 =	sand.u32 $0x78, s13  }
0xf: {  	s30 =	sand.u32 $0x7E00, s13;
	s12 =	sshll.u32 s12, $0xF;
	s16 =	sand.u32 $0xC00, s16  }
0x10: {  	[tilespmem:s15+$0x810 ss:$0x81] =	vst.msk $0xffff, v2;
	s31 =	sand.u32 $0x7, s13;
	s16 =	sor.u32 s17, s16;
	s17 =	sadd.s32 s3, s30  }
0x11: {  	[tilespmem:s15+$0x1020 ss:$0x81] =	vst.msk $0xffff, v0;
	s13 =	sshll.u32 s31, $0x12;
	s12 =	sadd.s32 s12, s17;
	s16 =	sshrl.u32 s16, $0x3  }
0x12: {  	[tilespmem:s15+$0x0 ss:$0x81] =	vst.msk $0xffff, v1;
	s13 =	sor.u32 $0x400, s13;
	s12 =	sadd.s32 s16, s12  }
0x13: {  	[hbm4b:s12+s13] =	stream.strided.scatter [tilespmem:s14], [sflag:$0x2], $0x2000, s8, s13, $0x20;
	[tilespmem:$0x8080] =	vst v63  }
.LBB1_5:
0x14: {  	s14 =	sadd.s32 $0x1, s9  }
0x15: {  	s12 =	sadd.s32 $0x1000, s10;
	s16 =	smov.u32 s10;
	p2 =	sgt.s32 s14, $0xC7  }
0x16: {  	s16 =	smov.u32 @p2 s12  }
0x17: {  	s14 =	simm.s32 @p2 $0x0;
	p2 =	sgt.s32 s16, $0xFFF  }
0x18: {  	s16 =	smov.u32 @p2 s2;
	p2 =	sne.s32 s11, s7  }
.Ltmp1:
0x19: {  	p1 =	slt.u32 s11, $0x2;
	(pc) =	sbr.rel @!p2 .LBB1_6-.Ltmp1, $4  }
0x1a: {  	s15 =	simm.s32 @!p1 $0x2  }
0x1b: {  	s13 =	smov.u32 s10;
	p0 =	por !p0, !p0;
	_ =	swait.ge @!p1 [sflag:s15], $0x2000  }
0x1c: {  	s12 =	smov.u32 s9;
	[sflag:s15] =	ssyncset.done @!p1 $0x0;
	s9 =	smov.u32 s14  }
0x1d: {  	s11 =	sadd.s32 $0x1, s11;
	[sflag:s15] =	ssyncadd.s32 @!p1 $0xFFFFE000;
	s10 =	smov.u32 s16  }
.LBB1_1:
0x1e: {  	p1 =	sge.u32 s11, s5  }
0x1f: {  	s14 =	sand.u32 @!p1 $0x1FFFFFF, s9  }
0x20: {  	s15 =	smulhi.u32 @!p1 $0x147AE15, s14;
	_ =	sdelay $0x1  }
0x21: {  	s15 =	smul.u32 @!p1 $0xC8, s15  }
0x22: {  	s16 =	sxor.u32 @!p1 $0xFFFFFFFF, s11;
	s17 =	smul.u32 @!p1 $0xC80, s10  }
0x23: {  	s31 =	sadd.s32 $0xFFFFFFFF, s11;
	s16 =	sshll.u32 @!p1 s16, $0xD;
	s14 =	ssub.s32 @!p1 s14, s15  }
0x24: {  	s15 =	sand.u32 @!p1 $0x2000, s16;
	s16 =	sadd.s32 @!p1 s6, s17;
	s14 =	sshll.u32 @!p1 s14, $0x4  }
0x25: {  	s17 =	simm.s32 @!p1 $0x6400;
	s14 =	sadd.s32 @!p1 s14, s16;
	s16 =	simm.s32 @!p1 $0x40  }
0x26: {  	[tilespmem:s15], [sflag:$0x1] =	stream.strided.gather @!p1 [hbm4b:s14+s16], $0x2000, s17, s16, $0x38;
	[tilespmem:$0x8080] =	vst v63  }
0x27: {  	p1 =	sge.u32 s31, s5  }
.Ltmp2:
0x28: {  	_ = 	snop;
	(pc) =	sbr.rel @p1 .LBB1_5-.Ltmp2, $1  }
0x29: {  	_ =	sdelay $0x3  }
0x2a: {  	s14 =	simm.s32 $0x1  }
0x2b: {  	_ =	swait.ge [sflag:s4], $0x2000;
	s14 =	simm.s32 @!p0 $0x0  }
0x2c: {  	[sflag:s4] =	ssyncset.done $0x0;
	s15 =	sshll.u32 s14, $0xD  }
0x2d: {  	[sflag:s4] =	ssyncadd.s32 $0xFFFFE000;
	s18 =	sor.u32 $0x20, s15  }
0x2e: {  	s14 =	smul.u32 $0x8100, s14;
	v3 =	vld [tilespmem:s18+$0x10]  }
0x2f: {  	s30 =	sand.u32 $0x1, s11;
	v2 =	vld [tilespmem:s18+$0xFFFFFFF0]  }
0x30: {  	s15 =	smul.u32 $0x8100, s30;
	s14 =	sshrl.u32 s14, $0x2;
	v0 =	vld [tilespmem:s18+$0x0]  }
0x31: {  	v1 =	vld [tilespmem:s18+$0xFFFFFFE0];
	s16 =	sor.u32 $0x4000, s14  }
0x32: {  	s31 =	sshrl.u32 s15, $0x2;
	s15 =	sadd.s32 $0x0, s16  }
0x33: {  	s17 =	simm.s32 $0x4;
	s18 =	sadd.s32 $0x40, s18;
	s14 =	sor.u32 $0x4000, s31;
	[tilespmem:s15+$0x1830 ss:$0x81] =	vst.msk $0xffff, v3  }
.LBB1_3:
0x34: {  	v3 =	vld [tilespmem:s18+$0x10];
	p1 =	sne.s32 s17, $0x1FC;
	[tilespmem:s15+$0x810 ss:$0x81] =	vst.msk $0xffff, v2;
	s19 =	smov.u32 s17;
	s17 =	sadd.s32 $0x4, s17  }
.Ltmp3:
0x35: {  	v2 =	vld [tilespmem:s18+$0xFFFFFFF0];
	[tilespmem:s15+$0x1020 ss:$0x81] =	vst.msk $0xffff, v0;
	(pc) =	sbr.rel @p1 .LBB1_3-.Ltmp3, $4  }
0x36: {  	v0 =	vld [tilespmem:s18+$0x0];
	[tilespmem:s15+$0x0 ss:$0x81] =	vst.msk $0xffff, v1  }
0x37: {  	s15 =	sshra.s32 s19, $0x2;
	v1 =	vld [tilespmem:s18+$0xFFFFFFE0]  }
0x38: {  	s15 =	sadd.s32 s15, s16  }
0x39: {  	s18 =	sadd.s32 $0x40, s18;
	[tilespmem:s15+$0x1830 ss:$0x81] =	vst.msk $0xffff, v3  }
.Ltmp4:
0x3a: {  	_ = 	snop;
	(pc) =	sbr.rel .LBB1_4-.Ltmp4, $1  }
0x3b: {  	_ =	sdelay $0x3  }
.LBB1_6:
0x3c: {  	_ =	sfence.sel $0x180000  }
0x3d: {  	s2 =	simm.s32 $0x1;
	[bflag:$0x0] =	sbarrier.arrive $0xFFFF  }
0x3e: {  	s31 =	simm.s32 $0x2;
	[sflag:s2] =	ssyncpa.u1 $0x1  }
0x3f: {  	[sflag:s31] =	ssyncpa.u1 $0x1  }
0x40: {  	p0 =	sne.s32 s0, $0x0;
	_ =	strace $0x9000004A  }
0x41: {  	s0 =	sadd.s32 @!p0 $0x100000, s1;
	[bflag:$0x2] =	sbarrier.arrive $0xFFFF  }
0x42: {  	[sflag:s0] =	ssyncadd.tile.s32 @!p0 $0x1;
	_ =	shalt  }
.Lfunc_end1:
_tile_overlayer_lowered:
.L_overlay_start_2:
0x43: {  	(tag) =	ssettag $0x2  }
0x44: {  	s0 =	rddreg [dreg:$0x0];
	s2 =	stileid.u32  }
0x45: {  	s1 =	rddreg [dreg:$0x1];
	p0 =	sne.s32 s2, $0x0  }
0x46: {  	s3 =	rddreg [dreg:$0x2];
	[bflag:$0x3] =	sbarrier.arrive $0xFFFF;
	s2 =	simm.s32 @!p0 $0x1C01  }
0x47: {  	[timem:s3], [sflag:s2] =	dma.local @!p0 [hbm:s0], s1  }
0x48: {  	s0 =	simm.s32 @!p0 $0x1  }
0x49: {  	_ =	swait.ge @!p0 [sflag:s0], s1  }
0x4a: {  	s1 =	ssub.s32 @!p0 $0x0, s1;
	[sflag:s0] =	ssyncset.done @!p0 $0x0  }
0x4b: {  	[sflag:s0] =	ssyncadd.s32 @!p0 s1  }
0x4c: {  	[bflag:$0x3] =	sbarrier.arrive $0xFFFF  }
0x4d: {  	_ =	shalt  }

</sc_bundles>
